<compile_context>
chip_gen: v7x
topology: tpu7x:2x2x1
jax: 0.10.2.dev20260603
libtpu: 0.0.44.dev20260713+nightly
codegen_flags: <defaults>
</compile_context>

<pallas_src>
import jax
import jax.numpy as jnp
from jax import lax
from jax.experimental import pallas as pl
from jax.experimental.pallas import tpu as pltpu
from jax.experimental.pallas import tpu_sc as plsc

VOCAB = 100000
EMBED = 2
BATCH = 1024

NUM_WORKERS = 32
BPW = BATCH // NUM_WORKERS
LANES = 16
VT = 2048


def _gather_body(x_hbm, tab_hbm, e_hbm, idx_v, eidx_v, ebuf_v, sem):
    wid = lax.axis_index("s") * 2 + lax.axis_index("c")
    base = wid * BPW
    pltpu.sync_copy(x_hbm.at[pl.ds(base, BPW)], idx_v)
    for g in range(BPW // LANES):
        idx16 = idx_v[pl.ds(g * LANES, LANES)]
        eidx_v[pl.ds(g * LANES, LANES)] = idx16 << 1
        eidx_v[pl.ds(BPW + g * LANES, LANES)] = (idx16 << 1) + 1
    pltpu.async_copy(tab_hbm.at[eidx_v], ebuf_v, sem).wait()
    pltpu.sync_copy(ebuf_v.at[pl.ds(0, BPW)], e_hbm.at[pl.ds(base, BPW)])
    pltpu.sync_copy(ebuf_v.at[pl.ds(BPW, BPW)],
                    e_hbm.at[pl.ds(BATCH + base, BPW)])


def _sc_gather(x, tab_flat):
    mesh = plsc.VectorSubcoreMesh(core_axis_name="c", subcore_axis_name="s")
    k = pl.kernel(
        _gather_body,
        out_type=jax.ShapeDtypeStruct((BATCH * EMBED,), jnp.float32),
        mesh=mesh,
        scratch_types=[
            pltpu.VMEM((BPW,), jnp.int32),
            pltpu.VMEM((BPW * EMBED,), jnp.int32),
            pltpu.VMEM((BPW * EMBED,), jnp.float32),
            pltpu.SemaphoreType.DMA,
        ],
    )
    return k(x, tab_flat)


def _proj_body(e_ref, wt_ref, b_ref, out_ref):
    e = e_ref[...]
    out_ref[...] = (
        e[:, 0:1] * wt_ref[0:1, :]
        + e[:, 1:2] * wt_ref[1:2, :]
        + b_ref[...]
    )


def _project(e, wt, b2):
    return pl.pallas_call(
        _proj_body,
        grid=(pl.cdiv(VOCAB, VT),),
        in_specs=[
            pl.BlockSpec((BATCH, EMBED), lambda j: (0, 0)),
            pl.BlockSpec((EMBED, VT), lambda j: (0, j)),
            pl.BlockSpec((1, VT), lambda j: (0, j)),
        ],
        out_specs=pl.BlockSpec((BATCH, VT), lambda j: (0, j)),
        out_shape=jax.ShapeDtypeStruct((BATCH, VOCAB), jnp.float32),
    )(e, wt, b2)


def kernel(x, table, W, b):
    x = x.astype(jnp.int32)
    e_t = _sc_gather(x, table.reshape(-1))
    e = e_t.reshape(EMBED, BATCH).T
    logits = _project(e, W.T, b.reshape(1, VOCAB))
    return (logits, e)

# --- scband reference (transcript-rebuilt; emitter-appended) ---
"""Pipeline reference for scband-word2vec-model-51393578664246 (READ-ONLY COPY).

The authoritative reference and input builder live on the scoring server;
editing this copy changes nothing except your own understanding.
"""

import jax, jax.numpy as jnp
import numpy as np

VOCAB = 100000
EMBED = 2  # hardcoded in Word2vecModel.__init__
BATCH = 1024

def setup_inputs(seed: int = 0) -> dict:
    key = jax.random.key(seed)
    k1, k2, k3, k4 = jax.random.split(key, 4)
    x = jax.random.randint(k1, (BATCH,), 0, VOCAB, dtype=jnp.int64 if jax.config.jax_enable_x64 else jnp.int32)
    # nn.Embedding default init: N(0, 1)
    table = jax.random.normal(k2, (VOCAB, EMBED), dtype=jnp.float32)
    # nn.Linear(EMBED, VOCAB): weight [VOCAB, EMBED], bias [VOCAB]
    bound = 1.0 / np.sqrt(EMBED)
    W = jax.random.uniform(k3, (VOCAB, EMBED), dtype=jnp.float32, minval=-bound, maxval=bound)
    b = jax.random.uniform(k4, (VOCAB,), dtype=jnp.float32, minval=-bound, maxval=bound)
    return {"x": x, "table": table, "W": W, "b": b}

def reference(x, table, W, b):
    # e = self.embeddings(x)
    e = jnp.take(table, x, axis=0)            # [B, EMBED] gather
    # logits = self.linear(e)  (torch Linear: e @ W.T + b)
    logits = e @ W.T + b                       # [B, VOCAB]
    return (logits, e)

if __name__ == "__main__":
    import jax
    _d = setup_inputs()
    print(jax.jit(kernel)(*tuple(_d.values())))

</pallas_src>

<mosaic_0001>
#map = affine_map<(d0, d1) -> (0)>
module attributes {stable_mosaic.version = 14 : i64} {
  func.func @_gather_body(%arg0: i32, %arg1: i32, %arg2: memref<1024xi32, #tpu.memory_space<hbm>>, %arg3: memref<200000xf32, #tpu.memory_space<hbm>>, %arg4: memref<2048xf32, #tpu.memory_space<hbm>>, %arg5: memref<32xi32, #tpu.memory_space<vmem>>, %arg6: memref<64xi32, #tpu.memory_space<vmem>>, %arg7: memref<64xf32, #tpu.memory_space<vmem>>, %arg8: memref<!tpu.dma_semaphore, #tpu.memory_space<semaphore_mem>>) attributes {dimension_semantics = [#tpu.dimension_semantics<core_parallel>, #tpu.dimension_semantics<subcore_parallel>], iteration_bounds = array<i64: 2, 16>, scalar_prefetch = 0 : i64, scratch_operands = 4 : i64, tpu.core_type = #tpu.core_type<sc_vector_subcore>, window_params = [{transform_indices = #map}, {transform_indices = #map}, {transform_indices = #map}]} {
    %mul3A = arith.constant 2 : i32
    %mul3A_0 = arith.muli %arg1, %mul3A : i32
    %add3A = arith.addi %mul3A_0, %arg0 : i32
    %mul3A_1 = arith.constant 32 : i32
    %mul3A_2 = arith.muli %add3A, %mul3A_1 : i32
    "tpu.region"() ({
      %run_scoped3A = tpu.sem_alloc : memref<!tpu.dma_semaphore, #tpu.memory_space<semaphore_mem>>
      %dma_start3A_44 = tpu.memref_slice %arg2[%mul3A_2] : memref<1024xi32, #tpu.memory_space<hbm>> -> memref<32xi32, #tpu.memory_space<hbm>>
      %dma_start3A_45 = tpu.memref_slice %arg2[%mul3A_2] : memref<1024xi32, #tpu.memory_space<hbm>> -> memref<32xi32, #tpu.memory_space<hbm>>
      tpu.enqueue_dma source(%dma_start3A_45 : memref<32xi32, #tpu.memory_space<hbm>>) target(%arg5 : memref<32xi32, #tpu.memory_space<vmem>>) target_semaphore(%run_scoped3A : memref<!tpu.dma_semaphore, #tpu.memory_space<semaphore_mem>>)
      %dma_wait3A_46 = tpu.memref_slice %arg2[%mul3A_2] : memref<1024xi32, #tpu.memory_space<hbm>> -> memref<32xi32, #tpu.memory_space<hbm>>
      %dma_wait3A_47 = tpu.memref_slice %arg2[%mul3A_2] : memref<1024xi32, #tpu.memory_space<hbm>> -> memref<32xi32, #tpu.memory_space<hbm>>
      tpu.wait_dma2 semaphore(%run_scoped3A : memref<!tpu.dma_semaphore, #tpu.memory_space<semaphore_mem>>) src(%dma_wait3A_47 : memref<32xi32, #tpu.memory_space<hbm>>) dst(%arg5 : memref<32xi32, #tpu.memory_space<vmem>>)
      tpu.yield
    }) : () -> ()
    %get3A = arith.constant 0 : index
    %get3A_3 = tpu.vector_load %arg5[%get3A] {strides = array<i32>} : memref<32xi32, #tpu.memory_space<vmem>>, vector<16xi32>,
    %get3A_4 = vector.shape_cast %get3A_3 : vector<16xi32> to vector<16xi32>
    %shift_left3A = arith.constant 1 : i32
    %shift_left3A_5 = vector.broadcast %shift_left3A : i32 to vector<16xi32>
    %shift_left3A_6 = arith.shli %get3A_4, %shift_left3A_5 : vector<16xi32>
    %swap3A = arith.constant 0 : index
    %swap3A_7 = tpu.vector_load %arg6[%swap3A] {strides = array<i32>} : memref<64xi32, #tpu.memory_space<vmem>>, vector<16xi32>,
    %swap3A_8 = vector.shape_cast %swap3A_7 : vector<16xi32> to vector<16xi32>
    %swap3A_9 = vector.shape_cast %shift_left3A_6 : vector<16xi32> to vector<16xi32>
    tpu.vector_store %arg6[%swap3A], %swap3A_9 {strides = array<i32>} : memref<64xi32, #tpu.memory_space<vmem>>, vector<16xi32>,
    %shift_left3A_10 = arith.constant 1 : i32
    %shift_left3A_11 = vector.broadcast %shift_left3A_10 : i32 to vector<16xi32>
    %shift_left3A_12 = arith.shli %get3A_4, %shift_left3A_11 : vector<16xi32>
    %add3A_13 = arith.constant 1 : i32
    %add3A_14 = vector.broadcast %add3A_13 : i32 to vector<16xi32>
    %add3A_15 = arith.addi %shift_left3A_12, %add3A_14 : vector<16xi32>
    %swap3A_16 = arith.constant 32 : index
    %swap3A_17 = tpu.vector_load %arg6[%swap3A_16] {strides = array<i32>} : memref<64xi32, #tpu.memory_space<vmem>>, vector<16xi32>,
    %swap3A_18 = vector.shape_cast %swap3A_17 : vector<16xi32> to vector<16xi32>
    %swap3A_19 = vector.shape_cast %add3A_15 : vector<16xi32> to vector<16xi32>
    tpu.vector_store %arg6[%swap3A_16], %swap3A_19 {strides = array<i32>} : memref<64xi32, #tpu.memory_space<vmem>>, vector<16xi32>,
    %get3A_20 = arith.constant 16 : index
    %get3A_21 = tpu.vector_load %arg5[%get3A_20] {strides = array<i32>} : memref<32xi32, #tpu.memory_space<vmem>>, vector<16xi32>,
    %get3A_22 = vector.shape_cast %get3A_21 : vector<16xi32> to vector<16xi32>
    %shift_left3A_23 = arith.constant 1 : i32
    %shift_left3A_24 = vector.broadcast %shift_left3A_23 : i32 to vector<16xi32>
    %shift_left3A_25 = arith.shli %get3A_22, %shift_left3A_24 : vector<16xi32>
    %swap3A_26 = arith.constant 16 : index
    %swap3A_27 = tpu.vector_load %arg6[%swap3A_26] {strides = array<i32>} : memref<64xi32, #tpu.memory_space<vmem>>, vector<16xi32>,
    %swap3A_28 = vector.shape_cast %swap3A_27 : vector<16xi32> to vector<16xi32>
    %swap3A_29 = vector.shape_cast %shift_left3A_25 : vector<16xi32> to vector<16xi32>
    tpu.vector_store %arg6[%swap3A_26], %swap3A_29 {strides = array<i32>} : memref<64xi32, #tpu.memory_space<vmem>>, vector<16xi32>,
    %shift_left3A_30 = arith.constant 1 : i32
    %shift_left3A_31 = vector.broadcast %shift_left3A_30 : i32 to vector<16xi32>
    %shift_left3A_32 = arith.shli %get3A_22, %shift_left3A_31 : vector<16xi32>
    %add3A_33 = arith.constant 1 : i32
    %add3A_34 = vector.broadcast %add3A_33 : i32 to vector<16xi32>
    %add3A_35 = arith.addi %shift_left3A_32, %add3A_34 : vector<16xi32>
    %swap3A_36 = arith.constant 48 : index
    %swap3A_37 = tpu.vector_load %arg6[%swap3A_36] {strides = array<i32>} : memref<64xi32, #tpu.memory_space<vmem>>, vector<16xi32>,
    %swap3A_38 = vector.shape_cast %swap3A_37 : vector<16xi32> to vector<16xi32>
    %swap3A_39 = vector.shape_cast %add3A_35 : vector<16xi32> to vector<16xi32>
    tpu.vector_store %arg6[%swap3A_36], %swap3A_39 {strides = array<i32>} : memref<64xi32, #tpu.memory_space<vmem>>, vector<16xi32>,
    %dma_start3A = arith.constant 0 : i32
    %dma_start3A_40 = tpu.memref_slice %arg3[%dma_start3A] : memref<200000xf32, #tpu.memory_space<hbm>> -> memref<200000xf32, #tpu.memory_space<hbm>>
    tpu.enqueue_indirect_dma source(%dma_start3A_40 : memref<200000xf32, #tpu.memory_space<hbm>>) target(%arg7 : memref<64xf32, #tpu.memory_space<vmem>>) offsets(%arg6 : memref<64xi32, #tpu.memory_space<vmem>>) semaphore(%arg8 : memref<!tpu.dma_semaphore, #tpu.memory_space<semaphore_mem>>)
    %dma_wait3A = arith.constant 0 : i32
    %dma_wait3A_41 = tpu.memref_slice %arg3[%dma_wait3A] : memref<200000xf32, #tpu.memory_space<hbm>> -> memref<200000xf32, #tpu.memory_space<hbm>>
    tpu.wait_indirect_dma semaphore(%arg8 : memref<!tpu.dma_semaphore, #tpu.memory_space<semaphore_mem>>) src(%dma_wait3A_41 : memref<200000xf32, #tpu.memory_space<hbm>>) dst(%arg7 : memref<64xf32, #tpu.memory_space<vmem>>)
    "tpu.region"() ({
      %run_scoped3A = tpu.sem_alloc : memref<!tpu.dma_semaphore, #tpu.memory_space<semaphore_mem>>
      %dma_start3A_44 = arith.constant 0 : i32
      %dma_start3A_45 = tpu.memref_slice %arg7[%dma_start3A_44] : memref<64xf32, #tpu.memory_space<vmem>> -> memref<32xf32, #tpu.memory_space<vmem>>
      %dma_start3A_46 = tpu.memref_slice %arg4[%mul3A_2] : memref<2048xf32, #tpu.memory_space<hbm>> -> memref<32xf32, #tpu.memory_space<hbm>>
      %dma_start3A_47 = tpu.memref_slice %arg4[%mul3A_2] : memref<2048xf32, #tpu.memory_space<hbm>> -> memref<32xf32, #tpu.memory_space<hbm>>
      %dma_start3A_48 = arith.constant 0 : i32
      %dma_start3A_49 = tpu.memref_slice %arg7[%dma_start3A_48] : memref<64xf32, #tpu.memory_space<vmem>> -> memref<32xf32, #tpu.memory_space<vmem>>
      tpu.enqueue_dma source(%dma_start3A_49 : memref<32xf32, #tpu.memory_space<vmem>>) target(%dma_start3A_47 : memref<32xf32, #tpu.memory_space<hbm>>) target_semaphore(%run_scoped3A : memref<!tpu.dma_semaphore, #tpu.memory_space<semaphore_mem>>)
      %dma_wait3A_50 = arith.constant 0 : i32
      %dma_wait3A_51 = tpu.memref_slice %arg7[%dma_wait3A_50] : memref<64xf32, #tpu.memory_space<vmem>> -> memref<32xf32, #tpu.memory_space<vmem>>
      %dma_wait3A_52 = tpu.memref_slice %arg4[%mul3A_2] : memref<2048xf32, #tpu.memory_space<hbm>> -> memref<32xf32, #tpu.memory_space<hbm>>
      %dma_wait3A_53 = tpu.memref_slice %arg4[%mul3A_2] : memref<2048xf32, #tpu.memory_space<hbm>> -> memref<32xf32, #tpu.memory_space<hbm>>
      %dma_wait3A_54 = arith.constant 0 : i32
      %dma_wait3A_55 = tpu.memref_slice %arg7[%dma_wait3A_54] : memref<64xf32, #tpu.memory_space<vmem>> -> memref<32xf32, #tpu.memory_space<vmem>>
      tpu.wait_dma2 semaphore(%run_scoped3A : memref<!tpu.dma_semaphore, #tpu.memory_space<semaphore_mem>>) src(%dma_wait3A_55 : memref<32xf32, #tpu.memory_space<vmem>>) dst(%dma_wait3A_53 : memref<32xf32, #tpu.memory_space<hbm>>)
      tpu.yield
    }) : () -> ()
    %add3A_42 = arith.constant 1024 : i32
    %add3A_43 = arith.addi %add3A_42, %mul3A_2 : i32
    "tpu.region"() ({
      %run_scoped3A = tpu.sem_alloc : memref<!tpu.dma_semaphore, #tpu.memory_space<semaphore_mem>>
      %dma_start3A_44 = arith.constant 32 : i32
      %dma_start3A_45 = tpu.memref_slice %arg7[%dma_start3A_44] : memref<64xf32, #tpu.memory_space<vmem>> -> memref<32xf32, #tpu.memory_space<vmem>>
      %dma_start3A_46 = tpu.memref_slice %arg4[%add3A_43] : memref<2048xf32, #tpu.memory_space<hbm>> -> memref<32xf32, #tpu.memory_space<hbm>>
      %dma_start3A_47 = tpu.memref_slice %arg4[%add3A_43] : memref<2048xf32, #tpu.memory_space<hbm>> -> memref<32xf32, #tpu.memory_space<hbm>>
      %dma_start3A_48 = arith.constant 32 : i32
      %dma_start3A_49 = tpu.memref_slice %arg7[%dma_start3A_48] : memref<64xf32, #tpu.memory_space<vmem>> -> memref<32xf32, #tpu.memory_space<vmem>>
      tpu.enqueue_dma source(%dma_start3A_49 : memref<32xf32, #tpu.memory_space<vmem>>) target(%dma_start3A_47 : memref<32xf32, #tpu.memory_space<hbm>>) target_semaphore(%run_scoped3A : memref<!tpu.dma_semaphore, #tpu.memory_space<semaphore_mem>>)
      %dma_wait3A_50 = arith.constant 32 : i32
      %dma_wait3A_51 = tpu.memref_slice %arg7[%dma_wait3A_50] : memref<64xf32, #tpu.memory_space<vmem>> -> memref<32xf32, #tpu.memory_space<vmem>>
      %dma_wait3A_52 = tpu.memref_slice %arg4[%add3A_43] : memref<2048xf32, #tpu.memory_space<hbm>> -> memref<32xf32, #tpu.memory_space<hbm>>
      %dma_wait3A_53 = tpu.memref_slice %arg4[%add3A_43] : memref<2048xf32, #tpu.memory_space<hbm>> -> memref<32xf32, #tpu.memory_space<hbm>>
      %dma_wait3A_54 = arith.constant 32 : i32
      %dma_wait3A_55 = tpu.memref_slice %arg7[%dma_wait3A_54] : memref<64xf32, #tpu.memory_space<vmem>> -> memref<32xf32, #tpu.memory_space<vmem>>
      tpu.wait_dma2 semaphore(%run_scoped3A : memref<!tpu.dma_semaphore, #tpu.memory_space<semaphore_mem>>) src(%dma_wait3A_55 : memref<32xf32, #tpu.memory_space<vmem>>) dst(%dma_wait3A_53 : memref<32xf32, #tpu.memory_space<hbm>>)
      tpu.yield
    }) : () -> ()
    return
  }
}

module attributes {stable_mosaic.version = 14 : i64} {
  func.func @_proj_body(%arg0: i32, %arg1: memref<1024x2xf32, #tpu.memory_space<vmem>>, %arg2: memref<2x2048xf32, #tpu.memory_space<vmem>>, %arg3: memref<1x2048xf32, #tpu.memory_space<vmem>>, %arg4: memref<1024x2048xf32, #tpu.memory_space<vmem>>) attributes {dimension_semantics = [#tpu.dimension_semantics<arbitrary>], iteration_bounds = array<i64: 49>, scalar_prefetch = 0 : i64, scratch_operands = 0 : i64, tpu.core_type = #tpu.core_type<tc>, window_params = [{pipeline_mode = #tpu.pipeline_mode<synchronous>, transform_indices = @transform_0, window_bounds = array<i64: 1024, 2>}, {transform_indices = @transform_1, window_bounds = array<i64: 2, 2048>}, {transform_indices = @transform_2, window_bounds = array<i64: 1, 2048>}, {transform_indices = @transform_3, window_bounds = array<i64: 1024, 2048>}]} {
    %get3A = arith.constant 0 : index
    %get3A_0 = arith.constant 0 : index
    %get3A_1 = vector.load %arg1[%get3A, %get3A_0] : memref<1024x2xf32, #tpu.memory_space<vmem>>, vector<1024x2xf32>
    %slice3A = vector.extract_strided_slice %get3A_1 {offsets = [0, 0], sizes = [1024, 1], strides = [1, 1]} : vector<1024x2xf32> to vector<1024x1xf32>
    %get3A_2 = arith.constant 0 : index
    %get3A_3 = arith.constant 0 : index
    %get3A_4 = vector.load %arg2[%get3A_2, %get3A_3] : memref<2x2048xf32, #tpu.memory_space<vmem>>, vector<1x2048xf32>
    %mul3A = vector.broadcast %slice3A : vector<1024x1xf32> to vector<1024x2048xf32>
    %mul3A_5 = vector.broadcast %get3A_4 : vector<1x2048xf32> to vector<1024x2048xf32>
    %mul3A_6 = arith.mulf %mul3A, %mul3A_5 : vector<1024x2048xf32>
    %slice3A_7 = vector.extract_strided_slice %get3A_1 {offsets = [0, 1], sizes = [1024, 1], strides = [1, 1]} : vector<1024x2xf32> to vector<1024x1xf32>
    %get3A_8 = arith.constant 1 : index
    %get3A_9 = arith.constant 0 : index
    %get3A_10 = vector.load %arg2[%get3A_8, %get3A_9] : memref<2x2048xf32, #tpu.memory_space<vmem>>, vector<1x2048xf32>
    %mul3A_11 = vector.broadcast %slice3A_7 : vector<1024x1xf32> to vector<1024x2048xf32>
    %mul3A_12 = vector.broadcast %get3A_10 : vector<1x2048xf32> to vector<1024x2048xf32>
    %mul3A_13 = arith.mulf %mul3A_11, %mul3A_12 : vector<1024x2048xf32>
    %add3A = arith.addf %mul3A_6, %mul3A_13 : vector<1024x2048xf32>
    %get3A_14 = arith.constant 0 : index
    %get3A_15 = arith.constant 0 : index
    %get3A_16 = vector.load %arg3[%get3A_14, %get3A_15] : memref<1x2048xf32, #tpu.memory_space<vmem>>, vector<1x2048xf32>
    %add3A_17 = vector.broadcast %get3A_16 : vector<1x2048xf32> to vector<1024x2048xf32>
    %add3A_18 = arith.addf %add3A, %add3A_17 : vector<1024x2048xf32>
    %swap3A = arith.constant 0 : index
    %swap3A_19 = arith.constant 0 : index
    %swap3A_20 = vector.load %arg4[%swap3A, %swap3A_19] : memref<1024x2048xf32, #tpu.memory_space<vmem>>, vector<1024x2048xf32>
    tpu.vector_store %arg4[%swap3A, %swap3A_19], %add3A_18 {strides = array<i32>} : memref<1024x2048xf32, #tpu.memory_space<vmem>>, vector<1024x2048xf32>,
    return
  }
  func.func @transform_0(%arg0: i32) -> (i32, i32) {
    %c0_i32 = arith.constant 0 : i32
    %c0_i32_0 = arith.constant 0 : i32
    %c0_i32_1 = arith.constant 0 : i32
    return %c0_i32, %c0_i32_0 : i32, i32
  }
  func.func @transform_1(%arg0: i32) -> (i32, i32) {
    %c0_i32 = arith.constant 0 : i32
    %c0_i32_0 = arith.constant 0 : i32
    return %c0_i32, %arg0 : i32, i32
  }
  func.func @transform_2(%arg0: i32) -> (i32, i32) {
    %c0_i32 = arith.constant 0 : i32
    %c0_i32_0 = arith.constant 0 : i32
    return %c0_i32, %arg0 : i32, i32
  }
  func.func @transform_3(%arg0: i32) -> (i32, i32) {
    %c0_i32 = arith.constant 0 : i32
    %c0_i32_0 = arith.constant 0 : i32
    return %c0_i32, %arg0 : i32, i32
  }
}

</mosaic_0001>

<sc_bundles>
// kernel: kernel.4.cloned.1.call-start
scs
__scs_entry_jumppad:
0x0: {  	(pc) =	sbr.rel $0x88, $3  }
0x1: {  	(tag) =	ssettag $0x0;
	lr =	simm.s32 $0x1  }
0x2: {  	[smem:$0x3F9D] =	sst lr;
	_ =	strace $0xD0000000  }
0x3: {  	_ = 	snop  }
0x4: {  	_ = 	snop  }
0x5: {  	_ = 	snop  }
0x6: {  	_ = 	snop  }
0x7: {  	_ = 	snop  }
__scs_overlays_trampoline_lowered:
0x8: {  	[smem:$0x3FAC] =	sst s0  }
0x9: {  	[smem:$0x3FAD] =	sst s1  }
0xa: {  	[smem:$0x3FAE] =	sst s2  }
0xb: {  	[smem:$0x3FAF] =	sst s3  }
0xc: {  	[smem:$0x3FB0] =	sst s4  }
0xd: {  	[smem:$0x3FB1] =	sst s5  }
0xe: {  	[smem:$0x3FB2] =	sst s6  }
0xf: {  	[smem:$0x3FB3] =	sst s7  }
0x10: {  	[smem:$0x3FB4] =	sst s8  }
0x11: {  	[smem:$0x3FB5] =	sst s9;
	s0 =	simm.s32 @!p0 $0x0  }
0x12: {  	s1 =	sld [smem:$0x3F9B];
	s0 =	simm.s32 @p0 $0x1  }
0x13: {  	[smem:$0x3FB6] =	sst s0;
	s0 =	simm.s32 @!p1 $0x0  }
0x14: {  	s2 =	sld [smem:$0x3F9A];
	s0 =	simm.s32 @p1 $0x1  }
0x15: {  	[smem:$0x3FB7] =	sst s0;
	s0 =	simm.s32 @!p2 $0x0  }
0x16: {  	s3 =	sld [smem:$0x3FDB];
	s0 =	simm.s32 @p2 $0x1  }
0x17: {  	s4 =	simm.s32 $0x1BF5;
	[smem:$0x3FB9] =	sst s0  }
0x18: {  	s0 =	sld [smem:$0x3F9C];
	_ =	swait.ge [sflag:s4], $0x0  }
0x19: {  	s7 =	sld [smem:$0x3F9D]  }
0x1a: {  	s8 =	sadd.s32 $0xFFFFE003, lr  }
0x1b: {  	s9 =	sadd.s32 $0xFFFFFEF7, lr;
	s5 =	simm.s32 $0xFFFFFFFF;
	p2 =	slt.u32 s8, $0xFFFFF086  }
0x1c: {  	p1 =	slt.u32 s9, $0xF7A;
	s5 =	simm.s32 @!p2 $0x0  }
0x1d: {  	s5 =	simm.s32 @p1 $0x1;
	p0 =	seq.s32 s7, s2  }
0x1e: {  	s7 =	smul.u32 @!p0 $0xF7A, s2;
	p2 =	seq.s32 @!p0 s5, $0x0  }
0x1f: {  	s9 =	smul.u32 $0xF7A, s1;
	s8 =	simm.s32 @!p0 $0x1BF5;
	p2 =	por !p2, p0  }
0x20: {  	[sflag:s8] =	ssyncset.s32 @!p0 $0xFFFFF086;
	s6 =	sadd.s32 @!p0 s3, s7;
	s7 =	simm.s32 @!p0 $0x108  }
0x21: {  	s3 =	sadd.s32 s3, s9;
	s6 =	sadd.s32 @!p0 $0x88, s6;
	s7 =	simm.s32 @p2 $0x1082  }
0x22: {  	[simem:s7], [sflag:s8] =	dma.local @!p0 [hbm:s6], $0xF7A  }
0x23: {  	s9 =	sor.u32 $0xD0000000, s2;
	s6 =	simm.s32 $0x108;
	_ =	swait.ge @!p0 [sflag:s8], $0x0  }
0x24: {  	s3 =	sadd.s32 $0x88, s3;
	s6 =	simm.s32 @!p1 $0x1082;
	[sflag:s4] =	ssyncset.s32 $0xFFFFF086  }
0x25: {  	[simem:s6], [sflag:s4] =	dma.local [hbm:s3], $0xF7A  }
0x26: {  	[smem:$0x3F9D] =	sst s1;
	(tag) =	ssettag s2;
	_ =	strace s9  }
0x27: {  	s1 =	sld [smem:$0x3FAD]  }
0x28: {  	s2 =	sld [smem:$0x3FAE]  }
0x29: {  	s4 =	sld [smem:$0x3FB0]  }
0x2a: {  	p0 =	seq.s32 s5, $0x0;
	s5 =	sld [smem:$0x3FB1]  }
0x2b: {  	s6 =	sld [smem:$0x3FB2]  }
0x2c: {  	s7 =	sld [smem:$0x3FB3]  }
0x2d: {  	s3 =	simm.s32 $0x108;
	s8 =	sld [smem:$0x3FB4]  }
0x2e: {  	s3 =	simm.s32 @!p0 $0x1082;
	s9 =	sld [smem:$0x3FB5]  }
0x2f: {  	lr =	sadd.s32 s0, s3;
	s0 =	sld [smem:$0x3FAC]  }
0x30: {  	s3 =	sld [smem:$0x3FAF]  }
0x31: {  	[smem:$0x3FB8] =	sst s10  }
0x32: {  	s10 =	sld [smem:$0x3FB6];
	_ =	sdelay $0x3  }
0x33: {  	p0 =	seq.s32 s10, $0x1;
	s10 =	sld [smem:$0x3FB8];
	_ =	sdelay $0x3  }
0x34: {  	[smem:$0x3FB8] =	sst s10  }
0x35: {  	s10 =	sld [smem:$0x3FB7];
	_ =	sdelay $0x3  }
0x36: {  	p1 =	seq.s32 s10, $0x1;
	s10 =	sld [smem:$0x3FB8];
	_ =	sdelay $0x3  }
0x37: {  	[smem:$0x3FB8] =	sst s10  }
0x38: {  	s10 =	sld [smem:$0x3FB9]  }
0x39: {  	_ = 	snop;
	(pc) =	sbr.ind lr, $3  }
0x3a: {  	_ = 	snop  }
0x3b: {  	_ = 	snop  }
0x3c: {  	p2 =	seq.s32 s10, $0x1;
	s10 =	sld [smem:$0x3FB8]  }
0x3d: {  	_ =	shalt  }
0x3e: {  	_ =	shalt  }
0x3f: {  	_ =	shalt  }
0x40: {  	_ =	shalt  }
0x41: {  	_ =	shalt  }
0x42: {  	_ =	shalt  }
0x43: {  	_ =	shalt  }
0x44: {  	_ =	shalt  }
0x45: {  	_ =	shalt  }
0x46: {  	_ =	shalt  }
0x47: {  	_ =	shalt  }
0x48: {  	_ =	shalt  }
0x49: {  	_ =	shalt  }
0x4a: {  	_ =	shalt  }
0x4b: {  	_ =	shalt  }
0x4c: {  	_ =	shalt  }
0x4d: {  	_ =	shalt  }
0x4e: {  	_ =	shalt  }
0x4f: {  	_ =	shalt  }
0x50: {  	_ =	shalt  }
0x51: {  	_ =	shalt  }
0x52: {  	_ =	shalt  }
0x53: {  	_ =	shalt  }
0x54: {  	_ =	shalt  }
0x55: {  	_ =	shalt  }
0x56: {  	_ =	shalt  }
0x57: {  	_ =	shalt  }
0x58: {  	_ =	shalt  }
0x59: {  	_ =	shalt  }
0x5a: {  	_ =	shalt  }
0x5b: {  	_ =	shalt  }
0x5c: {  	_ =	shalt  }
0x5d: {  	_ =	shalt  }
0x5e: {  	_ =	shalt  }
0x5f: {  	_ =	shalt  }
0x60: {  	_ =	shalt  }
0x61: {  	_ =	shalt  }
0x62: {  	_ =	shalt  }
0x63: {  	_ =	shalt  }
0x64: {  	_ =	shalt  }
0x65: {  	_ =	shalt  }
0x66: {  	_ =	shalt  }
0x67: {  	_ =	shalt  }
0x68: {  	_ =	shalt  }
0x69: {  	_ =	shalt  }
0x6a: {  	_ =	shalt  }
0x6b: {  	_ =	shalt  }
0x6c: {  	_ =	shalt  }
0x6d: {  	_ =	shalt  }
0x6e: {  	_ =	shalt  }
0x6f: {  	_ =	shalt  }
0x70: {  	_ =	shalt  }
0x71: {  	_ =	shalt  }
0x72: {  	_ =	shalt  }
0x73: {  	_ =	shalt  }
0x74: {  	_ =	shalt  }
0x75: {  	_ =	shalt  }
0x76: {  	_ =	shalt  }
0x77: {  	_ =	shalt  }
0x78: {  	_ =	shalt  }
0x79: {  	_ =	shalt  }
0x7a: {  	_ =	shalt  }
0x7b: {  	_ =	shalt  }
0x7c: {  	_ =	shalt  }
0x7d: {  	_ =	shalt  }
0x7e: {  	_ =	shalt  }
0x7f: {  	_ =	shalt  }
0x80: {  	_ =	shalt  }
0x81: {  	_ =	shalt  }
0x82: {  	_ =	shalt  }
0x83: {  	_ =	shalt  }
0x84: {  	_ =	shalt  }
0x85: {  	_ =	shalt  }
0x86: {  	_ =	shalt  }
0x87: {  	_ =	shalt  }
.Lfunc_end0:
.L_simem_size_0:
called_computation_lowered:
.L_overlay_start_0:
0x88: {  	s2 =	sld [smem:$0x3FD9]  }
0x89: {  	s3 =	sld [smem:$0x3FFE];
	_ =	sdelay $0x1  }
0x8a: {  	s1 =	srdreg.scid  }
0x8b: {  	s0 =	sand.u32 $0x1, s1  }
0x8c: {  	s14 =	sshll.u32 s0, $0xA;
	s2 =	sadd.s32 s3, s2  }
0x8d: {  	s2 =	sadd.s32 s2, s14  }
0x8e: {  	[smem:$0x3FC4] =	sst s2  }
0x8f: {  	_ = 	snop  }
0x90: {  	s2 =	sld [smem:$0x3FD0];
	_ =	sdelay $0x2  }
0x91: {  	s4 =	simm.s32 $0xA;
	s5 =	simm.s32 $0x10;
	s15 =	sld [smem:$0x3FC9]  }
0x92: {  	[smem:s5], [sflag:s4] =	dma.local [hbm:s2], $0x1  }
0x93: {  	_ =	swait.eq [sflag:s4], $0x1  }
0x94: {  	[sflag:s4] =	ssyncset.done $0x0  }
0x95: {  	[sflag:s4] =	ssyncadd.s32 $0xFFFFFFFF  }
0x96: {  	s16 =	sld [smem:$0x11];
	(tm) =	ssettm $0x1  }
0x97: {  	s17 =	sld [smem:$0x3FFB];
	_ =	sdelay $0x3  }
0x98: {  	_ =	strace s17  }
0x99: {  	s4 =	sld [smem:$0x3FFC];
	_ =	sdelay $0x3  }
0x9a: {  	_ =	strace s4  }
0x9b: {  	s4 =	sld [smem:$0x3FFD];
	_ =	sdelay $0x3  }
0x9c: {  	_ =	strace s4  }
0x9d: {  	_ =	strace $0x8FFFFFFF  }
0x9e: {  	s18 =	sld [smem:$0x3FDB];
	_ =	sdelay $0x1  }
0x9f: {  	s19 =	simm.s32 $_scs_section_size  }
0xa0: {  	s6 =	simm.s32 $_size__tile_overlayer_lowered;
	s7 =	simm.s32 $_tile_overlayer_lowered  }
0xa1: {  	s22 =	simm.s32 $0x1BFF;
	s21 =	sshll.u32 s7, $0x1;
	s4 =	sadd.s32 s19, s18  }
0xa2: {  	s8 =	simm.s32 $0x0;
	s20 =	sshll.u32 s6, $0x1;
	s6 =	sadd.s32 s21, s4  }
0xa3: {  	[timem:s8], [sflag:s22] =	dma.local [hbm:s6], s20  }
0xa4: {  	_ =	swait.ge [sflag:s22], s20  }
0xa5: {  	s5 =	ssub.s32 $0x0, s20;
	[sflag:s22] =	ssyncset.done $0x0  }
0xa6: {  	[sflag:s22] =	ssyncadd.s32 s5;
	_ =	sdelay $0x1  }
0xa7: {  	s23 =	simm.s32 $0x1B8B  }
0xa8: {  	_ =	swait.ge [sflag:s23], $0x1  }
0xa9: {  	[sflag:s23] =	ssyncset.done $0x0  }
0xaa: {  	s25 =	simm.s32 $0x1B8E;
	s24 =	sld [smem:$0x3FFE];
	[sflag:s23] =	ssyncadd.s32 $0xFFFFFFFF  }
0xab: {  	s26 =	simm.s32 $execute0_lowered;
	[smem:$0x3FD2] =	sst s25  }
0xac: {  	s6 =	sshll.u32 s26, $0x1;
	_ =	strace $0x80000046;
	[dreg:$0x1] =	wrdreg $0xFFFFFFFF  }
0xad: {  	s28 =	simm.s32 $_size_execute0_lowered;
	s4 =	sadd.s32 s4, s6;
	[dreg:$0x0] =	wrdreg $0x0  }
0xae: {  	s6 =	sshll.u32 s28, $0x1;
	[dreg:$0x2] =	wrdreg s4  }
0xaf: {  	[dreg:$0x3] =	wrdreg s6  }
0xb0: {  	[dreg:$0x4] =	wrdreg $0xC0  }
0xb1: {  	_ =	task [dreg:s8], $0x5FFFF  }
0xb2: {  	[dreg:$0x1] =	wrdreg $0xFFFFFFFF  }
0xb3: {  	[dreg:$0x0] =	wrdreg $0x60  }
0xb4: {  	[dreg:$0x2] =	wrdreg s15  }
0xb5: {  	[dreg:$0x3] =	wrdreg s24  }
0xb6: {  	[dreg:$0x4] =	wrdreg s16  }
0xb7: {  	[dreg:$0x5] =	wrdreg $0x9  }
0xb8: {  	_ =	task.clear_ibuf [dreg:s8], $0x6FFFF;
	_ =	strace $0x90000046  }
0xb9: {  	s29 =	simm.s32 $0x9;
	_ =	strace $0x80000048  }
0xba: {  	_ =	swait.ge [sflag:s29], $0x1  }
0xbb: {  	[sflag:s29] =	ssyncadd.s32 $0xFFFFFFFF  }
0xbc: {  	_ =	strace $0x90000048  }
0xbd: {  	_ =	sfence  }
0xbe: {  	s30 =	sld [smem:$0x0];
	_ =	sdelay $0x2  }
0xbf: {  	s31 =	sshll.u32 s1, $0xD;
	s1 =	sshrl.u32 s1, $0x2  }
0xc0: {  	s3 =	sand.u32 $0x4000, s31;
	s1 =	sadd.s32 s1, s30  }
0xc1: {  	s0 =	sor.u32 s3, s0;
	s1 =	sshll.u32 s1, $0x11  }
0xc2: {  	s0 =	sor.u32 s1, s0  }
0xc3: {  	s0 =	sadd.s32 $0x8F2B, s0  }
0xc4: {  	[sflag:s0] =	ssyncadd.remote.s32 $0x1  }
0xc5: {  	_ =	sfence.sel $0xFFFF  }
0xc6: {  	[dreg:$0x0] =	wrdreg $0xFFFFFFFF;
	(pc) =	sbr.abs _section_cstart, $3  }
0xc7: {  	[dreg:$0x1] =	wrdreg $0xFFFFFFFF  }
0xc8: {  	_ =	task.clear_ibuf [dreg:s8], $0x2FFFF;
	_ =	strace $0x9FFFFFFF  }
0xc9: {  	(tm) =	ssettm $0x7FFFFFFF  }
tec
execute0_lowered:
.L_overlay_start_1:
0x0: {  	(tag) =	ssettag $0x1  }
0x1: {  	s3 =	rddreg [dreg:$0x0]  }
0x2: {  	s5 =	rddreg [dreg:$0x1]  }
0x3: {  	s10 =	rddreg [dreg:$0x2];
	s2 =	srdreg.scid  }
0x4: {  	s0 =	rddreg [dreg:$0x3];
	s1 =	stileid.u32;
	s11 =	sand.u32 $0x1, s2  }
0x5: {  	s2 =	simm.s32 $0x0;
	s4 =	sshll.u32 s1, $0x3;
	s6 =	sshll.u32 s11, $0x2  }
0x6: {  	[smem:$0x7FF] =	sst s2;
	s12 =	sor.u32 s6, s4  }
0x7: {  	_ =	strace $0x80000047;
	s4 =	sadd.s32 s3, s12;
	s3 =	simm.s32 $0x2  }
0x8: {  	[tilespmem:s2], [sflag:$0x2] =	stream.linear.gather [hbm4b:s4+s2], $0x20, $0x38;
	[tilespmem:$0x180] =	vst v63  }
0x9: {  	_ =	swait.ge [sflag:s3], $0x20  }
0xa: {  	[sflag:s3] =	ssyncset.done $0x0  }
0xb: {  	[sflag:s3] =	ssyncadd.s32 $0xFFFFFFE0  }
0xc: {  	v0 =	vld [tilespmem:$0x0]  }
0xd: {  	v1 =	vld [tilespmem:$0x10];
	_ =	sdelay $0x3  }
0xe: {  	v0 =	vshll.u32 v0, $0x1  }
0xf: {  	v1 =	vshll.u32 v1, $0x1;
	[tilespmem:$0x80] =	vst v0  }
0x10: {  	s7 =	simm.s32 $0x80;
	v0 =	vor.u32 $0x1, v0;
	[tilespmem:$0x90] =	vst v1  }
0x11: {  	s8 =	simm.s32 $0x100;
	s9 =	simm.s32 $0x1;
	s11 =	ssub.s32 $0x2, s11;
	v63 =	vor.u32 $0x1, v1;
	[tilespmem:$0xA0] =	vst v0  }
0x12: {  	s5 =	sadd.s32 $0x600, s5;
	s6 =	simm.s32 $0x40;
	s31 =	sshrl.u32 s11, $0x1;
	[tilespmem:$0xB0] =	vst v63  }
0x13: {  	[tilespmem:s8], [sflag:$0x1] =	stream.indirect.gather [hbm4b:s5+s6], $0x1, s7, s6, $0xb8;
	[tilespmem:$0x180] =	vst v63  }
0x14: {  	s10 =	sadd.s32 s10, s12;
	s12 =	ssub.s32 s11, s31;
	_ =	swait.ge [sflag:s9], $0x40  }
0x15: {  	s13 =	smax.u32 s12, $0x1;
	[sflag:s9] =	ssyncset.done $0x0  }
0x16: {  	p0 =	sne.s32 s13, $0x1;
	[sflag:s9] =	ssyncadd.s32 $0xFFFFFFC0  }
0x17: {  	[hbm4b:s10+s2] =	stream.linear.scatter [tilespmem:s8], [sflag:$0x2], $0x20, $0x38;
	[tilespmem:$0x180] =	vst v63  }
.Ltmp0:
0x18: {  	_ = 	snop;
	(pc) =	sbr.rel @!p0 .LBB2_2-.Ltmp0, $4  }
0x19: {  	_ =	swait.ge [sflag:s3], $0x20  }
0x1a: {  	s11 =	sadd.s32 $0x80, s10;
	[sflag:s3] =	ssyncset.done $0x0  }
0x1b: {  	s12 =	simm.s32 $0x120;
	s13 =	sadd.s32 $0xFFFFFFFF, s13;
	[sflag:s3] =	ssyncadd.s32 $0xFFFFFFE0  }
0x1c: {  	[hbm4b:s11+s2] =	stream.linear.scatter [tilespmem:s12], [sflag:$0x2], $0x20, $0x38;
	[tilespmem:$0x180] =	vst v63  }
.LBB2_1:
0x1d: {  	p0 =	sne.s32 s13, $0x1;
	s13 =	sadd.s32 $0xFFFFFFFF, s13;
	_ =	swait.ge [sflag:s3], $0x20  }
0x1e: {  	[sflag:s3] =	ssyncset.done $0x0  }
0x1f: {  	[sflag:s3] =	ssyncadd.s32 $0xFFFFFFE0  }
0x20: {  	[tilespmem:s2], [sflag:$0x2] =	stream.linear.gather [hbm4b:s4+s2], $0x20, $0x38;
	[tilespmem:$0x180] =	vst v63  }
0x21: {  	_ =	swait.ge [sflag:s3], $0x20  }
0x22: {  	[sflag:s3] =	ssyncset.done $0x0  }
0x23: {  	[sflag:s3] =	ssyncadd.s32 $0xFFFFFFE0  }
0x24: {  	v0 =	vld [tilespmem:$0x0]  }
0x25: {  	v1 =	vld [tilespmem:$0x10];
	_ =	sdelay $0x3  }
0x26: {  	v0 =	vshll.u32 v0, $0x1  }
0x27: {  	[tilespmem:$0x80] =	vst v0;
	v0 =	vor.u32 $0x1, v0;
	v1 =	vshll.u32 v1, $0x1  }
0x28: {  	[tilespmem:$0xA0] =	vst v0;
	v0 =	vor.u32 $0x1, v1  }
0x29: {  	[tilespmem:$0xB0] =	vst v0  }
0x2a: {  	[tilespmem:$0x90] =	vst v1  }
0x2b: {  	[tilespmem:s8], [sflag:$0x1] =	stream.indirect.gather [hbm4b:s5+s6], $0x1, s7, s6, $0xb8;
	[tilespmem:$0x180] =	vst v63  }
0x2c: {  	_ =	swait.ge [sflag:s9], $0x40  }
0x2d: {  	[sflag:s9] =	ssyncset.done $0x0  }
0x2e: {  	[sflag:s9] =	ssyncadd.s32 $0xFFFFFFC0  }
0x2f: {  	[hbm4b:s10+s2] =	stream.linear.scatter [tilespmem:s8], [sflag:$0x2], $0x20, $0x38;
	[tilespmem:$0x180] =	vst v63  }
.Ltmp1:
0x30: {  	_ = 	snop;
	(pc) =	sbr.rel @p0 .LBB2_1-.Ltmp1, $4  }
0x31: {  	_ =	swait.ge [sflag:s3], $0x20  }
0x32: {  	[sflag:s3] =	ssyncset.done $0x0  }
0x33: {  	[sflag:s3] =	ssyncadd.s32 $0xFFFFFFE0  }
0x34: {  	[hbm4b:s11+s2] =	stream.linear.scatter [tilespmem:s12], [sflag:$0x2], $0x20, $0x38;
	[tilespmem:$0x180] =	vst v63  }
.LBB2_2:
0x35: {  	_ =	swait.ge [sflag:s3], $0x20  }
0x36: {  	[sflag:s3] =	ssyncset.done $0x0  }
0x37: {  	[sflag:s3] =	ssyncadd.s32 $0xFFFFFFE0  }
0x38: {  	_ =	sfence.sel $0x180000  }
0x39: {  	[bflag:$0x0] =	sbarrier.arrive $0xFFFF  }
0x3a: {  	p0 =	sne.s32 s1, $0x0;
	_ =	strace $0x90000047  }
0x3b: {  	s0 =	sadd.s32 @!p0 $0x100000, s0;
	[bflag:$0x2] =	sbarrier.arrive $0xFFFF  }
0x3c: {  	[sflag:s0] =	ssyncadd.tile.s32 @!p0 $0x1;
	_ =	shalt  }
.Lfunc_end2:
_tile_overlayer_lowered:
.L_overlay_start_2:
0x3d: {  	(tag) =	ssettag $0x2  }
0x3e: {  	s0 =	rddreg [dreg:$0x0];
	s2 =	stileid.u32  }
0x3f: {  	s1 =	rddreg [dreg:$0x1];
	p0 =	sne.s32 s2, $0x0  }
0x40: {  	s3 =	rddreg [dreg:$0x2];
	[bflag:$0x3] =	sbarrier.arrive $0xFFFF;
	s2 =	simm.s32 @!p0 $0x1C02  }
0x41: {  	[timem:s3], [sflag:s2] =	dma.local @!p0 [hbm:s0], s1  }
0x42: {  	s0 =	simm.s32 @!p0 $0x2  }
0x43: {  	_ =	swait.ge @!p0 [sflag:s0], s1  }
0x44: {  	s1 =	ssub.s32 @!p0 $0x0, s1;
	[sflag:s0] =	ssyncset.done @!p0 $0x0  }
0x45: {  	[sflag:s0] =	ssyncadd.s32 @!p0 s1  }
0x46: {  	[bflag:$0x3] =	sbarrier.arrive $0xFFFF  }
0x47: {  	_ =	shalt  }

</sc_bundles>
